<compile_context>
chip_gen: v7x
topology: tpu7x:2x2x1
jax: 0.10.2.dev20260603
libtpu: 0.0.44.dev20260713+nightly
codegen_flags: <defaults>
</compile_context>

<pallas_src>
import jax
import jax.numpy as jnp
from jax.experimental import pallas as pl
from jax.experimental.pallas import tpu as pltpu

_K = 16
_N = 256
_BIG = 1e9


def _ctable_kernel(d_ref, c_ref, call_ref, row_ref):
    kk = pl.program_id(1)
    d = d_ref[0]
    nn = jax.lax.broadcasted_iota(jnp.int32, (_N, _N), 0)
    ii = jax.lax.broadcasted_iota(jnp.int32, (_N, _N), 1)
    ik = jax.lax.broadcasted_iota(jnp.int32, (_N, _K), 1)

    def col_to_shifted_row(col):
        return jnp.sum(jnp.where(nn == ii + 1, col, 0.0), axis=0,
                       keepdims=True)

    @pl.when(kk == 0)
    def _init():
        col0 = d[:, _N - 1:_N]
        c_ref[0] = jnp.where(ik == 0, col0, 0.0)
        call_ref[0] = jnp.where(ii == _N - 1, 1.0, -1.0)
        row_ref[:, :] = col_to_shifted_row(col0)

    @pl.when(kk > 0)
    def _step():
        row_shift = row_ref[:, :]
        a = d + row_shift
        valid = (ii >= nn) & (ii < _N - kk)
        a_safe = jnp.where(valid, a, _BIG)
        cmin = jnp.min(a_safe, axis=1, keepdims=True)
        nn_col = jax.lax.broadcasted_iota(jnp.int32, (_N, 1), 0)
        newcol = jnp.where(nn_col < _N - kk, cmin, 0.0)
        c_ref[0] = jnp.where(ik == kk, newcol, c_ref[0])
        row_ref[:, :] = col_to_shifted_row(newcol)
        w = jnp.exp(cmin - a_safe)
        s = jnp.sum(w, axis=1, keepdims=True)
        call_ref[0] = jnp.where(valid, w / s, -1.0)


def kernel(input_D_sum):
    b = input_D_sum.shape[0]
    c, call_flat = pl.pallas_call(
        _ctable_kernel,
        grid=(b, _K),
        in_specs=[pl.BlockSpec((1, _N, _N), lambda bi, kk: (bi, 0, 0))],
        out_specs=[
            pl.BlockSpec((1, _N, _K), lambda bi, kk: (bi, 0, 0)),
            pl.BlockSpec((1, _N, _N), lambda bi, kk: (bi, 0, kk)),
        ],
        out_shape=[
            jax.ShapeDtypeStruct((b, _N, _K), jnp.float32),
            jax.ShapeDtypeStruct((b, _N, _K * _N), jnp.float32),
        ],
        scratch_shapes=[pltpu.VMEM((1, _N), jnp.float32)],
    )(input_D_sum)
    return c, call_flat.reshape(b, _N, _K, _N)

# --- scband reference (transcript-rebuilt; emitter-appended) ---
"""Pipeline reference for scband-c-table-all-25202868092937 (READ-ONLY COPY).

The authoritative reference and input builder live on the scoring server;
editing this copy changes nothing except your own understanding.
"""

import jax, jax.numpy as jnp
import numpy as np

K = 16
_BIG = 1e9


def _forward(input_D_sum):
    b, N, _ = input_D_sum.shape
    C = jnp.zeros((b, N, K), dtype=input_D_sum.dtype)
    C_all = -jnp.ones((b, N, K, N), dtype=input_D_sum.dtype)
    C = C.at[:, :, 0].set(input_D_sum[:, :, N - 1])
    C_all = C_all.at[:, :, 0, N - 1].set(1.0)
    nn_idx = jnp.arange(N)[:, None]
    ii_idx = jnp.arange(N)[None, :]
    for kk in range(1, K):
        Cprev = C[:, :, kk - 1]
        # Cprev_shift[:, ii] = Cprev[:, ii+1] (value at ii = N-1 is never used for kk >= 1)
        Cprev_shift = jnp.concatenate([Cprev[:, 1:], jnp.zeros((b, 1), dtype=Cprev.dtype)], axis=1)
        # A[b, nn, ii] = D_sum[b, nn, ii] + C[b, ii+1, kk-1]
        A = input_D_sum + Cprev_shift[:, None, :]
        valid = (ii_idx >= nn_idx) & (ii_idx < N - kk)  # [N, N], over (nn, ii)
        row_valid = nn_idx[:, 0] < N - kk  # [N]
        A_safe = jnp.where(valid[None, :, :], A, _BIG)
        Cmin = jnp.min(A_safe, axis=2)
        C = C.at[:, :, kk].set(jnp.where(row_valid[None, :], Cmin, C[:, :, kk]))
        # softmin(temp) == softmax(-temp); masked entries contribute exp(-BIG) ~ 0
        sm = jax.nn.softmax(-A_safe, axis=2)
        prev_slice = C_all[:, :, kk, :]
        new_slice = jnp.where(valid[None, :, :] & row_valid[None, :, None], sm, prev_slice)
        C_all = C_all.at[:, :, kk, :].set(new_slice)
    return (C, C_all)


def setup_inputs(seed: int = 0) -> dict:
    key = jax.random.key(seed)
    input_D_sum = jax.random.normal(key, (8, 256, 256), dtype=jnp.float32)
    return {"input_D_sum": input_D_sum}


def reference(input_D_sum):
    return _forward(input_D_sum)

if __name__ == "__main__":
    import jax
    _d = setup_inputs()
    print(jax.jit(kernel)(*tuple(_d.values())))

</pallas_src>

<mosaic_0001>
module attributes {stable_mosaic.version = 14 : i64} {
  func.func @_ctable_kernel(%arg0: i32, %arg1: i32, %arg2: memref<1x256x256xf32, #tpu.memory_space<vmem>>, %arg3: memref<1x256x16xf32, #tpu.memory_space<vmem>>, %arg4: memref<1x256x256xf32, #tpu.memory_space<vmem>>, %arg5: memref<1x256xf32, #tpu.memory_space<vmem>>) attributes {dimension_semantics = [#tpu.dimension_semantics<arbitrary>, #tpu.dimension_semantics<arbitrary>], iteration_bounds = array<i64: 8, 16>, scalar_prefetch = 0 : i64, scratch_operands = 1 : i64, tpu.core_type = #tpu.core_type<tc>, window_params = [{transform_indices = @transform_0, window_bounds = array<i64: 1, 256, 256>}, {transform_indices = @transform_1, window_bounds = array<i64: 1, 256, 16>}, {transform_indices = @transform_2, window_bounds = array<i64: 1, 256, 256>}]} {
    %get3A = arith.constant 0 : index
    %get3A_0 = arith.constant 0 : index
    %get3A_1 = arith.constant 0 : index
    %get3A_2 = vector.load %arg2[%get3A, %get3A_0, %get3A_1] : memref<1x256x256xf32, #tpu.memory_space<vmem>>, vector<1x256x256xf32>
    %get3A_3 = vector.shape_cast %get3A_2 : vector<1x256x256xf32> to vector<256x256xf32>
    %iota3A = tpu.iota {dimensions = array<i32: 0>} : vector<256x256xi32>
    %iota3A_4 = tpu.iota {dimensions = array<i32: 1>} : vector<256x256xi32>
    %iota3A_5 = tpu.iota {dimensions = array<i32: 1>} : vector<256x16xi32>
    %eq3A = arith.constant 0 : i32
    %eq3A_6 = arith.cmpi eq, %arg1, %eq3A : i32
    %convert_element_type3A = arith.extui %eq3A_6 : i1 to i32
    %cond3A = arith.constant 0 : i32
    %cond3A_7 = arith.cmpi ne, %convert_element_type3A, %cond3A : i32
    scf.if %cond3A_7 {
      %slice3A = vector.extract_strided_slice %get3A_3 {offsets = [0, 255], sizes = [256, 1], strides = [1, 1]} : vector<256x256xf32> to vector<256x1xf32>
      %eq3A_12 = arith.constant 0 : i32
      %eq3A_13 = vector.broadcast %eq3A_12 : i32 to vector<256x16xi32>
      %eq3A_14 = arith.cmpi eq, %iota3A_5, %eq3A_13 : vector<256x16xi32>
      %jit3A = arith.constant 0.000000e+00 : f32
      %broadcast_in_dim3A = vector.shape_cast %slice3A : vector<256x1xf32> to vector<256x1xf32>
      %broadcast_in_dim3A_15 = vector.broadcast %broadcast_in_dim3A : vector<256x1xf32> to vector<256x16xf32>
      %broadcast_in_dim3A_16 = vector.broadcast %jit3A : f32 to vector<256x16xf32>
      %select_n3A = arith.select %eq3A_14, %broadcast_in_dim3A_15, %broadcast_in_dim3A_16 : vector<256x16xi1>, vector<256x16xf32>
      %swap3A = arith.constant 0 : index
      %swap3A_17 = arith.constant 0 : index
      %swap3A_18 = arith.constant 0 : index
      %swap3A_19 = vector.load %arg3[%swap3A, %swap3A_17, %swap3A_18] : memref<1x256x16xf32, #tpu.memory_space<vmem>>, vector<1x256x16xf32>
      %swap3A_20 = vector.shape_cast %swap3A_19 : vector<1x256x16xf32> to vector<256x16xf32>
      %swap3A_21 = vector.shape_cast %select_n3A : vector<256x16xf32> to vector<1x256x16xf32>
      tpu.vector_store %arg3[%swap3A, %swap3A_17, %swap3A_18], %swap3A_21 {strides = array<i32>} : memref<1x256x16xf32, #tpu.memory_space<vmem>>, vector<1x256x16xf32>,
      %eq3A_22 = arith.constant 255 : i32
      %eq3A_23 = vector.broadcast %eq3A_22 : i32 to vector<256x256xi32>
      %eq3A_24 = arith.cmpi eq, %iota3A_4, %eq3A_23 : vector<256x256xi32>
      %jit3A_25 = arith.constant 1.000000e+00 : f32
      %jit3A_26 = arith.constant -1.000000e+00 : f32
      %broadcast_in_dim3A_27 = vector.broadcast %jit3A_25 : f32 to vector<256x256xf32>
      %broadcast_in_dim3A_28 = vector.broadcast %jit3A_26 : f32 to vector<256x256xf32>
      %select_n3A_29 = arith.select %eq3A_24, %broadcast_in_dim3A_27, %broadcast_in_dim3A_28 : vector<256x256xi1>, vector<256x256xf32>
      %swap3A_30 = arith.constant 0 : index
      %swap3A_31 = arith.constant 0 : index
      %swap3A_32 = arith.constant 0 : index
      %swap3A_33 = vector.load %arg4[%swap3A_30, %swap3A_31, %swap3A_32] : memref<1x256x256xf32, #tpu.memory_space<vmem>>, vector<1x256x256xf32>
      %swap3A_34 = vector.shape_cast %swap3A_33 : vector<1x256x256xf32> to vector<256x256xf32>
      %swap3A_35 = vector.shape_cast %select_n3A_29 : vector<256x256xf32> to vector<1x256x256xf32>
      tpu.vector_store %arg4[%swap3A_30, %swap3A_31, %swap3A_32], %swap3A_35 {strides = array<i32>} : memref<1x256x256xf32, #tpu.memory_space<vmem>>, vector<1x256x256xf32>,
      %add3A = arith.constant 1 : i32
      %add3A_36 = vector.broadcast %add3A : i32 to vector<256x256xi32>
      %add3A_37 = arith.addi %iota3A_4, %add3A_36 : vector<256x256xi32>
      %eq3A_38 = arith.cmpi eq, %iota3A, %add3A_37 : vector<256x256xi32>
      %jit3A_39 = arith.constant 0.000000e+00 : f32
      %broadcast_in_dim3A_40 = vector.shape_cast %slice3A : vector<256x1xf32> to vector<256x1xf32>
      %broadcast_in_dim3A_41 = vector.broadcast %broadcast_in_dim3A_40 : vector<256x1xf32> to vector<256x256xf32>
      %broadcast_in_dim3A_42 = vector.broadcast %jit3A_39 : f32 to vector<256x256xf32>
      %select_n3A_43 = arith.select %eq3A_38, %broadcast_in_dim3A_41, %broadcast_in_dim3A_42 : vector<256x256xi1>, vector<256x256xf32>
      %reduce_sum3A = arith.constant dense<0.000000e+00> : vector<256xf32>
      %reduce_sum3A_44 = vector.multi_reduction <add>, %select_n3A_43, %reduce_sum3A [0] : vector<256x256xf32> to vector<256xf32>
      %broadcast_in_dim3A_45 = vector.shape_cast %reduce_sum3A_44 : vector<256xf32> to vector<1x256xf32>
      %swap3A_46 = arith.constant 0 : index
      %swap3A_47 = arith.constant 0 : index
      %swap3A_48 = vector.load %arg5[%swap3A_46, %swap3A_47] : memref<1x256xf32, #tpu.memory_space<vmem>>, vector<1x256xf32>
      tpu.vector_store %arg5[%swap3A_46, %swap3A_47], %broadcast_in_dim3A_45 {strides = array<i32>} : memref<1x256xf32, #tpu.memory_space<vmem>>, vector<1x256xf32>,
    } else {
    }
    %gt3A = arith.constant 0 : i32
    %gt3A_8 = arith.cmpi sgt, %arg1, %gt3A : i32
    %convert_element_type3A_9 = arith.extui %gt3A_8 : i1 to i32
    %cond3A_10 = arith.constant 0 : i32
    %cond3A_11 = arith.cmpi ne, %convert_element_type3A_9, %cond3A_10 : i32
    scf.if %cond3A_11 {
      %get3A_12 = arith.constant 0 : index
      %get3A_13 = arith.constant 0 : index
      %get3A_14 = vector.load %arg5[%get3A_12, %get3A_13] : memref<1x256xf32, #tpu.memory_space<vmem>>, vector<1x256xf32>
      %add3A = vector.broadcast %get3A_14 : vector<1x256xf32> to vector<256x256xf32>
      %add3A_15 = arith.addf %get3A_3, %add3A : vector<256x256xf32>
      %ge3A = arith.cmpi sge, %iota3A_4, %iota3A : vector<256x256xi32>
      %sub3A = arith.constant 256 : i32
      %sub3A_16 = arith.subi %sub3A, %arg1 : i32
      %lt3A = vector.broadcast %sub3A_16 : i32 to vector<256x256xi32>
      %lt3A_17 = arith.cmpi slt, %iota3A_4, %lt3A : vector<256x256xi32>
      %and3A = arith.andi %ge3A, %lt3A_17 : vector<256x256xi1>
      %jit3A = arith.constant 1.000000e+09 : f32
      %broadcast_in_dim3A = vector.broadcast %jit3A : f32 to vector<256x256xf32>
      %select_n3A = arith.select %and3A, %add3A_15, %broadcast_in_dim3A : vector<256x256xi1>, vector<256x256xf32>
      %reduce_min3A = arith.constant dense<0x7F800000> : vector<256xf32>
      %reduce_min3A_18 = vector.multi_reduction <minimumf>, %select_n3A, %reduce_min3A [1] : vector<256x256xf32> to vector<256xf32>
      %broadcast_in_dim3A_19 = vector.shape_cast %reduce_min3A_18 : vector<256xf32> to vector<256x1xf32>
      %iota3A_20 = tpu.iota {dimensions = array<i32: 0>} : vector<256x1xi32>
      %sub3A_21 = arith.constant 256 : i32
      %sub3A_22 = arith.subi %sub3A_21, %arg1 : i32
      %lt3A_23 = vector.broadcast %sub3A_22 : i32 to vector<256x1xi32>
      %lt3A_24 = arith.cmpi slt, %iota3A_20, %lt3A_23 : vector<256x1xi32>
      %jit3A_25 = arith.constant 0.000000e+00 : f32
      %broadcast_in_dim3A_26 = vector.broadcast %jit3A_25 : f32 to vector<256x1xf32>
      %select_n3A_27 = arith.select %lt3A_24, %broadcast_in_dim3A_19, %broadcast_in_dim3A_26 : vector<256x1xi1>, vector<256x1xf32>
      %eq3A_28 = vector.broadcast %arg1 : i32 to vector<256x16xi32>
      %eq3A_29 = arith.cmpi eq, %iota3A_5, %eq3A_28 : vector<256x16xi32>
      %get3A_30 = arith.constant 0 : index
      %get3A_31 = arith.constant 0 : index
      %get3A_32 = arith.constant 0 : index
      %get3A_33 = vector.load %arg3[%get3A_30, %get3A_31, %get3A_32] : memref<1x256x16xf32, #tpu.memory_space<vmem>>, vector<1x256x16xf32>
      %get3A_34 = vector.shape_cast %get3A_33 : vector<1x256x16xf32> to vector<256x16xf32>
      %broadcast_in_dim3A_35 = vector.shape_cast %select_n3A_27 : vector<256x1xf32> to vector<256x1xf32>
      %broadcast_in_dim3A_36 = vector.broadcast %broadcast_in_dim3A_35 : vector<256x1xf32> to vector<256x16xf32>
      %select_n3A_37 = arith.select %eq3A_29, %broadcast_in_dim3A_36, %get3A_34 : vector<256x16xi1>, vector<256x16xf32>
      %swap3A = arith.constant 0 : index
      %swap3A_38 = arith.constant 0 : index
      %swap3A_39 = arith.constant 0 : index
      %swap3A_40 = vector.load %arg3[%swap3A, %swap3A_38, %swap3A_39] : memref<1x256x16xf32, #tpu.memory_space<vmem>>, vector<1x256x16xf32>
      %swap3A_41 = vector.shape_cast %swap3A_40 : vector<1x256x16xf32> to vector<256x16xf32>
      %swap3A_42 = vector.shape_cast %select_n3A_37 : vector<256x16xf32> to vector<1x256x16xf32>
      tpu.vector_store %arg3[%swap3A, %swap3A_38, %swap3A_39], %swap3A_42 {strides = array<i32>} : memref<1x256x16xf32, #tpu.memory_space<vmem>>, vector<1x256x16xf32>,
      %add3A_43 = arith.constant 1 : i32
      %add3A_44 = vector.broadcast %add3A_43 : i32 to vector<256x256xi32>
      %add3A_45 = arith.addi %iota3A_4, %add3A_44 : vector<256x256xi32>
      %eq3A_46 = arith.cmpi eq, %iota3A, %add3A_45 : vector<256x256xi32>
      %jit3A_47 = arith.constant 0.000000e+00 : f32
      %broadcast_in_dim3A_48 = vector.shape_cast %select_n3A_27 : vector<256x1xf32> to vector<256x1xf32>
      %broadcast_in_dim3A_49 = vector.broadcast %broadcast_in_dim3A_48 : vector<256x1xf32> to vector<256x256xf32>
      %broadcast_in_dim3A_50 = vector.broadcast %jit3A_47 : f32 to vector<256x256xf32>
      %select_n3A_51 = arith.select %eq3A_46, %broadcast_in_dim3A_49, %broadcast_in_dim3A_50 : vector<256x256xi1>, vector<256x256xf32>
      %reduce_sum3A = arith.constant dense<0.000000e+00> : vector<256xf32>
      %reduce_sum3A_52 = vector.multi_reduction <add>, %select_n3A_51, %reduce_sum3A [0] : vector<256x256xf32> to vector<256xf32>
      %broadcast_in_dim3A_53 = vector.shape_cast %reduce_sum3A_52 : vector<256xf32> to vector<1x256xf32>
      %swap3A_54 = arith.constant 0 : index
      %swap3A_55 = arith.constant 0 : index
      %swap3A_56 = vector.load %arg5[%swap3A_54, %swap3A_55] : memref<1x256xf32, #tpu.memory_space<vmem>>, vector<1x256xf32>
      tpu.vector_store %arg5[%swap3A_54, %swap3A_55], %broadcast_in_dim3A_53 {strides = array<i32>} : memref<1x256xf32, #tpu.memory_space<vmem>>, vector<1x256xf32>,
      %sub3A_57 = vector.broadcast %broadcast_in_dim3A_19 : vector<256x1xf32> to vector<256x256xf32>
      %sub3A_58 = arith.subf %sub3A_57, %select_n3A : vector<256x256xf32>
      %exp3A = math.exp %sub3A_58 : vector<256x256xf32>
      %reduce_sum3A_59 = arith.constant dense<0.000000e+00> : vector<256xf32>
      %reduce_sum3A_60 = vector.multi_reduction <add>, %exp3A, %reduce_sum3A_59 [1] : vector<256x256xf32> to vector<256xf32>
      %broadcast_in_dim3A_61 = vector.shape_cast %reduce_sum3A_60 : vector<256xf32> to vector<256x1xf32>
      %div3A = vector.broadcast %broadcast_in_dim3A_61 : vector<256x1xf32> to vector<256x256xf32>
      %div3A_62 = arith.divf %exp3A, %div3A : vector<256x256xf32>
      %jit3A_63 = arith.constant -1.000000e+00 : f32
      %broadcast_in_dim3A_64 = vector.broadcast %jit3A_63 : f32 to vector<256x256xf32>
      %select_n3A_65 = arith.select %and3A, %div3A_62, %broadcast_in_dim3A_64 : vector<256x256xi1>, vector<256x256xf32>
      %swap3A_66 = arith.constant 0 : index
      %swap3A_67 = arith.constant 0 : index
      %swap3A_68 = arith.constant 0 : index
      %swap3A_69 = vector.load %arg4[%swap3A_66, %swap3A_67, %swap3A_68] : memref<1x256x256xf32, #tpu.memory_space<vmem>>, vector<1x256x256xf32>
      %swap3A_70 = vector.shape_cast %swap3A_69 : vector<1x256x256xf32> to vector<256x256xf32>
      %swap3A_71 = vector.shape_cast %select_n3A_65 : vector<256x256xf32> to vector<1x256x256xf32>
      tpu.vector_store %arg4[%swap3A_66, %swap3A_67, %swap3A_68], %swap3A_71 {strides = array<i32>} : memref<1x256x256xf32, #tpu.memory_space<vmem>>, vector<1x256x256xf32>,
    } else {
    }
    return
  }
  func.func @transform_0(%arg0: i32, %arg1: i32) -> (i32, i32, i32) {
    %c0_i32 = arith.constant 0 : i32
    %c0_i32_0 = arith.constant 0 : i32
    %c0_i32_1 = arith.constant 0 : i32
    return %arg0, %c0_i32, %c0_i32_0 : i32, i32, i32
  }
  func.func @transform_1(%arg0: i32, %arg1: i32) -> (i32, i32, i32) {
    %c0_i32 = arith.constant 0 : i32
    %c0_i32_0 = arith.constant 0 : i32
    %c0_i32_1 = arith.constant 0 : i32
    return %arg0, %c0_i32, %c0_i32_0 : i32, i32, i32
  }
  func.func @transform_2(%arg0: i32, %arg1: i32) -> (i32, i32, i32) {
    %c0_i32 = arith.constant 0 : i32
    %c0_i32_0 = arith.constant 0 : i32
    return %arg0, %c0_i32, %arg1 : i32, i32, i32
  }
}

</mosaic_0001>

<sc_bundles>
// kernel: sparse-core-data-format-call.cloned.1.call-start
scs
called_computation_lowered:
.L_overlay_start_0:
0x0: {  	s2 =	sld [smem:$0x3FD9]  }
0x1: {  	s3 =	sld [smem:$0x3FFE];
	_ =	sdelay $0x1  }
0x2: {  	s1 =	srdreg.scid  }
0x3: {  	s0 =	sand.u32 $0x1, s1  }
0x4: {  	s15 =	sshll.u32 s0, $0xA;
	s2 =	sadd.s32 s3, s2  }
0x5: {  	s2 =	sadd.s32 s2, s15  }
0x6: {  	[smem:$0x3FC7] =	sst s2  }
0x7: {  	_ = 	snop  }
0x8: {  	s2 =	sld [smem:$0x3FD0];
	_ =	sdelay $0x2  }
0x9: {  	s16 =	simm.s32 $0xA;
	s4 =	simm.s32 $0x10  }
0xa: {  	[smem:s4], [sflag:s16] =	dma.local [hbm:s2], $0x1  }
0xb: {  	_ =	swait.eq [sflag:s16], $0x1  }
0xc: {  	[sflag:s16] =	ssyncset.done $0x0  }
0xd: {  	[sflag:s16] =	ssyncadd.s32 $0xFFFFFFFF  }
0xe: {  	s17 =	sld [smem:$0x11];
	(tm) =	ssettm $0x1  }
0xf: {  	s18 =	sld [smem:$0x3FFB];
	_ =	sdelay $0x3  }
0x10: {  	_ =	strace s18  }
0x11: {  	s3 =	sld [smem:$0x3FFC];
	_ =	sdelay $0x3  }
0x12: {  	_ =	strace s3  }
0x13: {  	s3 =	sld [smem:$0x3FFD];
	_ =	sdelay $0x3  }
0x14: {  	_ =	strace s3  }
0x15: {  	_ =	strace $0x8FFFFFFF  }
0x16: {  	s19 =	sld [smem:$0x3FDB];
	_ =	sdelay $0x1  }
0x17: {  	s20 =	simm.s32 $_scs_section_size  }
0x18: {  	s5 =	simm.s32 $_size__tile_overlayer_lowered;
	s6 =	simm.s32 $_tile_overlayer_lowered  }
0x19: {  	s23 =	simm.s32 $0x1BFF;
	s22 =	sshll.u32 s6, $0x1;
	s3 =	sadd.s32 s20, s19  }
0x1a: {  	s7 =	simm.s32 $0x0;
	s21 =	sshll.u32 s5, $0x1;
	s5 =	sadd.s32 s22, s3  }
0x1b: {  	[timem:s7], [sflag:s23] =	dma.local [hbm:s5], s21  }
0x1c: {  	_ =	swait.ge [sflag:s23], s21  }
0x1d: {  	s4 =	ssub.s32 $0x0, s21;
	[sflag:s23] =	ssyncset.done $0x0  }
0x1e: {  	[sflag:s23] =	ssyncadd.s32 s4;
	_ =	sdelay $0x1  }
0x1f: {  	s24 =	simm.s32 $0x1B8B  }
0x20: {  	_ =	swait.ge [sflag:s24], $0x1  }
0x21: {  	[sflag:s24] =	ssyncset.done $0x0  }
0x22: {  	s26 =	simm.s32 $0x1B8E;
	s25 =	sld [smem:$0x3FFE];
	[sflag:s24] =	ssyncadd.s32 $0xFFFFFFFF  }
0x23: {  	s27 =	simm.s32 $execute0_lowered;
	[smem:$0x3FD2] =	sst s26  }
0x24: {  	s5 =	sshll.u32 s27, $0x1;
	_ =	strace $0x80000046;
	[dreg:$0x1] =	wrdreg $0xFFFFFFFF  }
0x25: {  	s28 =	simm.s32 $_size_execute0_lowered;
	s3 =	sadd.s32 s3, s5;
	[dreg:$0x0] =	wrdreg $0x0  }
0x26: {  	s5 =	sshll.u32 s28, $0x1;
	[dreg:$0x2] =	wrdreg s3  }
0x27: {  	[dreg:$0x3] =	wrdreg s5  }
0x28: {  	[dreg:$0x4] =	wrdreg $0xC0  }
0x29: {  	_ =	task [dreg:s7], $0x5FFFF  }
0x2a: {  	[dreg:$0x1] =	wrdreg $0xFFFFFFFF  }
0x2b: {  	[dreg:$0x0] =	wrdreg $0x60  }
0x2c: {  	[dreg:$0x2] =	wrdreg s25  }
0x2d: {  	[dreg:$0x3] =	wrdreg s17  }
0x2e: {  	[dreg:$0x4] =	wrdreg $0x9  }
0x2f: {  	_ =	task.clear_ibuf [dreg:s7], $0x5FFFF;
	_ =	strace $0x90000046  }
0x30: {  	s29 =	simm.s32 $0x9;
	_ =	strace $0x80000048  }
0x31: {  	_ =	swait.ge [sflag:s29], $0x1  }
0x32: {  	[sflag:s29] =	ssyncadd.s32 $0xFFFFFFFF  }
0x33: {  	_ =	strace $0x90000048  }
0x34: {  	_ =	sfence  }
0x35: {  	s30 =	sld [smem:$0x0];
	_ =	sdelay $0x2  }
0x36: {  	s31 =	sshll.u32 s1, $0xD;
	s1 =	sshrl.u32 s1, $0x2  }
0x37: {  	s3 =	sand.u32 $0x4000, s31;
	s1 =	sadd.s32 s1, s30  }
0x38: {  	s0 =	sor.u32 s3, s0;
	s1 =	sshll.u32 s1, $0x11  }
0x39: {  	s0 =	sor.u32 s1, s0  }
0x3a: {  	s0 =	sadd.s32 $0x8F2B, s0  }
0x3b: {  	[sflag:s0] =	ssyncadd.remote.s32 $0x1  }
0x3c: {  	_ =	sfence.sel $0xFFFF  }
0x3d: {  	[dreg:$0x0] =	wrdreg $0xFFFFFFFF;
	(pc) =	sbr.abs _section_cstart, $3  }
0x3e: {  	[dreg:$0x1] =	wrdreg $0xFFFFFFFF  }
0x3f: {  	_ =	task.clear_ibuf [dreg:s7], $0x2FFFF;
	_ =	strace $0x9FFFFFFF  }
0x40: {  	(tm) =	ssettm $0x7FFFFFFF  }
0x41: {  	_ =	shalt  }
tec
execute0_lowered:
.L_overlay_start_1:
0x0: {  	(tag) =	ssettag $0x1  }
0x1: {  	s1 =	rddreg [dreg:$0x0]  }
0x2: {  	s2 =	rddreg [dreg:$0x1]  }
0x3: {  	s0 =	rddreg [dreg:$0x2]  }
0x4: {  	_ =	strace $0x80000047;
	s4 =	srdreg.scid;
	s6 =	simm.s32 $0x2  }
0x5: {  	s11 =	simm.s32 $0x0;
	p0 =	por $0x0, $0x0;
	s7 =	simm.s32 $0x1000  }
.Ltmp0:
0x6: {  	s12 =	simm.s32 $0x0;
	s9 =	simm.s32 $0x0;
	(pc) =	sbr.rel .LBB1_1-.Ltmp0, $4  }
0x7: {  	s8 =	simm.s32 $0x0;
	s3 =	sadd.s32 $0x800, s1;
	s5 =	sshll.u32 s4, $0x4  }
0x8: {  	s1 =	stileid.u32;
	s4 =	simm.s32 $0x1;
	s5 =	sand.u32 $0x10, s5  }
0x9: {  	s18 =	simm.s32 $0x0;
	[sflag:s4] =	ssyncpa.u1 $0x0;
	s5 =	sor.u32 s1, s5  }
0xa: {  	[sflag:s6] =	ssyncpa.u1 $0x0;
	s6 =	simm.s32 $0x800;
	s10 =	smov.u32 s5  }
.LBB1_7:
0xb: {  	s13 =	sadd.s32 $0x8, s9  }
0xc: {  	s11 =	sadd.s32 $0x20, s10;
	s15 =	smov.u32 s10;
	p2 =	sgt.s32 s13, $0xF  }
0xd: {  	p1 =	slt.u32 s8, $0x2;
	s15 =	smov.u32 @p2 s11  }
0xe: {  	s8 =	sadd.s32 $0x1, s8;
	s13 =	simm.s32 @p2 $0x0;
	p2 =	sgt.s32 s15, $0xFF  }
0xf: {  	s15 =	smov.u32 @p2 s5;
	p2 =	sne.s32 s8, $0x12  }
.Ltmp1:
0x10: {  	_ = 	snop;
	(pc) =	sbr.rel @!p2 .LBB1_8-.Ltmp1, $4  }
0x11: {  	s14 =	simm.s32 @!p1 $0x2  }
0x12: {  	s12 =	smov.u32 s10;
	_ =	swait.ge @!p1 [sflag:s14], $0x4000  }
0x13: {  	p0 =	por !p0, !p0;
	s11 =	smov.u32 s9;
	[sflag:s14] =	ssyncset.done @!p1 $0x0  }
0x14: {  	s9 =	smov.u32 s13;
	[sflag:s14] =	ssyncadd.s32 @!p1 $0xFFFFC000;
	s10 =	smov.u32 s15  }
.LBB1_1:
0x15: {  	p1 =	sgt.u32 s8, $0xF  }
0x16: {  	s13 =	sxor.u32 @!p1 $0xFFFFFFFF, s8;
	s14 =	sshll.u32 @!p1 s10, $0xC  }
0x17: {  	s15 =	sshll.u32 @!p1 s9, $0x8;
	s13 =	sshll.u32 @!p1 s13, $0xE;
	s14 =	sadd.s32 @!p1 s3, s14  }
0x18: {  	s13 =	sand.u32 @!p1 $0x4000, s13;
	s14 =	sadd.s32 @!p1 s15, s14;
	s15 =	simm.s32 @!p1 $0x0  }
0x19: {  	[tilespmem:s13], [sflag:$0x1] =	stream.linear.gather @!p1 [hbm4b:s14+s15], $0x4000, $0x38;
	[tilespmem:$0x10000] =	vst v63  }
0x1a: {  	p1 =	seq.s32 s8, $0x0  }
0x1b: {  	p2 =	seq.s32 @!p1 s8, $0x11  }
0x1c: {  	p1 =	por p1, p2  }
.Ltmp2:
0x1d: {  	_ = 	snop;
	(pc) =	sbr.rel @p1 .LBB1_7-.Ltmp2, $1  }
0x1e: {  	_ =	sdelay $0x3  }
0x1f: {  	s13 =	simm.s32 $0x1  }
0x20: {  	_ =	swait.ge [sflag:s4], $0x4000;
	s31 =	sshll.u32 s8, $0xE;
	p1 =	por $0x0, $0x0  }
0x21: {  	s19 =	simm.s32 $0x0;
	s20 =	simm.s32 $0x0;
	s13 =	simm.s32 @!p0 $0x0  }
0x22: {  	[sflag:s4] =	ssyncset.done $0x0;
	s16 =	sand.u32 $0x4000, s31;
	s13 =	sshll.u32 s13, $0x10  }
0x23: {  	[sflag:s4] =	ssyncadd.s32 $0xFFFFC000;
	s17 =	sshrl.u32 s13, $0x2;
	s13 =	sor.u32 $0x8000, s16  }
0x24: {  	s14 =	sor.u32 $0x40, s17;
	s15 =	sor.u32 $0x8410, s17;
	s17 =	sadd.s32 $0x8400, s17  }
.LBB1_3:
0x25: {  	v1 =	vld [tilespmem:s14+$0xFFFFFFD0]  }
0x26: {  	v2 =	vld [tilespmem:s14+$0x430]  }
0x27: {  	s21 =	sshll.u32 s20, $0xB;
	v4 =	vld [tilespmem:s14+$0xFFFFFFE0]  }
0x28: {  	v7 =	vld [tilespmem:s14+$0xFFFFFFF0];
	v0 =	vmov s21  }
0x29: {  	v8 =	vld [tilespmem:s14+$0x0]  }
0x2a: {  	s30 =	sand.u32 $0x300, s18;
	v9 =	vld [tilespmem:s14+$0x10]  }
0x2b: {  	s22 =	sand.u32 $0x80, s18;
	v10 =	vld [tilespmem:s14+$0x20];
	s21 =	sadd.s32 s30, s16  }
0x2c: {  	v11 =	vld [tilespmem:s14+$0x30];
	s21 =	sadd.s32 s22, s21;
	s22 =	simm.s32 $0x1;
	[tilespmem:s15+$0x60] =	vst v2  }
0x2d: {  	s31 =	sshll.u32 s19, $0x2;
	s22 =	simm.s32 @!p1 $0x0;
	[tilespmem:s15+$0xFFFFFC00] =	vst v1;
	v3 =	vld.idx.msk [tilespmem:v0+s21+$0x400 ss:$0x1], $0xffff  }
0x2e: {  	v6 =	vld [tilespmem:s14+$0x3D0];
	s22 =	sshll.u32 s22, $0x9;
	[tilespmem:s15+$0xFFFFFC10] =	vst v4;
	s21 =	sand.u32 $0xFFFFFC00, s31  }
0x2f: {  	v5 =	vld [tilespmem:s14+$0x3E0];
	[tilespmem:s15+$0xFFFFFC20] =	vst v7;
	s21 =	sor.u32 s22, s21  }
0x30: {  	[tilespmem:s15+$0xFFFFFC30] =	vst v8;
	v4 =	vld [tilespmem:s14+$0x400];
	s21 =	sshrl.u32 s21, $0x2  }
0x31: {  	[tilespmem:s15+$0xFFFFFC40] =	vst v9;
	v1 =	vld [tilespmem:s14+$0x410];
	s21 =	sadd.s32 s21, s17  }
0x32: {  	[tilespmem:s21+$0x0] =	vst v3;
	v3 =	vld [tilespmem:s14+$0x3F0]  }
0x33: {  	s25 =	simm.s32 $0x80;
	s24 =	simm.s32 $0x100;
	[tilespmem:s15+$0xFFFFFC50] =	vst v10;
	v2 =	vld [tilespmem:s14+$0x420]  }
0x34: {  	s23 =	smov.u32 s15;
	s26 =	sand.u32 $0x300, s25;
	v7 =	vld [tilespmem:s14+$0xFFFFFFC0];
	[tilespmem:s15+$0xFFFFFC60] =	vst v11;
	s22 =	sadd.s32 $0x80, s14  }
.LBB1_4:
0x35: {  	p2 =	sne.s32 s24, $0x380;
	v8 =	vld [tilespmem:s22+$0xFFFFFFD0];
	s25 =	sand.u32 $0x80, s25;
	s26 =	sadd.s32 s26, s16;
	[tilespmem:s23+$0x0] =	vst v6  }
0x36: {  	s26 =	sadd.s32 s25, s26;
	v6 =	vld [tilespmem:s22+$0x430];
	[tilespmem:s23+$0x10] =	vst v5;
	s25 =	smov.u32 s24  }
0x37: {  	v5 =	vld.idx.msk [tilespmem:v0+s26+$0x400 ss:$0x1], $0xffff;
	[tilespmem:s23+$0x20] =	vst v3  }
0x38: {  	v3 =	vld [tilespmem:s22+$0xFFFFFFE0];
	[tilespmem:s23+$0x30] =	vst v4  }
0x39: {  	v4 =	vld [tilespmem:s22+$0xFFFFFFF0];
	[tilespmem:s23+$0xFFFFFBF0] =	vst v7  }
0x3a: {  	v7 =	vld [tilespmem:s22+$0x0];
	[tilespmem:s23+$0x40] =	vst v1  }
0x3b: {  	v1 =	vld [tilespmem:s22+$0x10];
	[tilespmem:s23+$0x50] =	vst v2;
	s23 =	sadd.s32 $0x800, s23  }
0x3c: {  	s21 =	sadd.s32 $0x800, s21;
	v2 =	vld [tilespmem:s22+$0x20];
	[tilespmem:s23+$0x60] =	vst v6  }
0x3d: {  	v9 =	vld [tilespmem:s22+$0x30];
	[tilespmem:s21+$0x0] =	vst v5  }
0x3e: {  	[tilespmem:s23+$0xFFFFFC00] =	vst v8;
	v6 =	vld [tilespmem:s22+$0x3D0]  }
0x3f: {  	[tilespmem:s23+$0xFFFFFC10] =	vst v3;
	v5 =	vld [tilespmem:s22+$0x3E0]  }
.Ltmp3:
0x40: {  	[tilespmem:s23+$0xFFFFFC20] =	vst v4;
	v3 =	vld [tilespmem:s22+$0x3F0];
	(pc) =	sbr.rel @p2 .LBB1_4-.Ltmp3, $4  }
0x41: {  	[tilespmem:s23+$0xFFFFFC30] =	vst v7;
	v4 =	vld [tilespmem:s22+$0x400]  }
0x42: {  	[tilespmem:s23+$0xFFFFFC40] =	vst v1;
	v1 =	vld [tilespmem:s22+$0x410]  }
0x43: {  	[tilespmem:s23+$0xFFFFFC50] =	vst v2;
	v2 =	vld [tilespmem:s22+$0x420]  }
0x44: {  	s24 =	sadd.s32 $0x80, s24;
	s26 =	sand.u32 $0x300, s25;
	v7 =	vld [tilespmem:s22+$0xFFFFFFC0];
	[tilespmem:s23+$0xFFFFFC60] =	vst v9;
	s22 =	sadd.s32 $0x80, s22  }
0x45: {  	[tilespmem:s23+$0x0] =	vst v6  }
0x46: {  	[tilespmem:s23+$0x10] =	vst v5  }
0x47: {  	v49 =	vld [tilespmem:s22+$0x430];
	[tilespmem:s23+$0x20] =	vst v3  }
0x48: {  	v50 =	vld [tilespmem:s22+$0xFFFFFFD0];
	[tilespmem:s23+$0x30] =	vst v4  }
0x49: {  	v51 =	vld [tilespmem:s22+$0xFFFFFFE0];
	[tilespmem:s23+$0x40] =	vst v1  }
0x4a: {  	v52 =	vld [tilespmem:s22+$0xFFFFFFF0];
	[tilespmem:s23+$0x50] =	vst v2  }
0x4b: {  	s31 =	sadd.s32 $0x800, s23;
	v53 =	vld [tilespmem:s22+$0x0];
	[tilespmem:s23+$0xFFFFFBF0] =	vst v7  }
0x4c: {  	v54 =	vld [tilespmem:s22+$0x10];
	[tilespmem:s31+$0x60] =	vst v49  }
0x4d: {  	v55 =	vld [tilespmem:s22+$0x20];
	[tilespmem:s31+$0xFFFFFC00] =	vst v50  }
0x4e: {  	v56 =	vld [tilespmem:s22+$0x30];
	[tilespmem:s31+$0xFFFFFC10] =	vst v51  }
0x4f: {  	v57 =	vld [tilespmem:s22+$0x3D0];
	[tilespmem:s31+$0xFFFFFC20] =	vst v52  }
0x50: {  	v58 =	vld [tilespmem:s22+$0x3E0];
	[tilespmem:s31+$0xFFFFFC30] =	vst v53  }
0x51: {  	v59 =	vld [tilespmem:s22+$0x3F0];
	[tilespmem:s31+$0xFFFFFC40] =	vst v54  }
0x52: {  	v60 =	vld [tilespmem:s22+$0x400];
	[tilespmem:s31+$0xFFFFFC50] =	vst v55  }
0x53: {  	v61 =	vld [tilespmem:s22+$0xFFFFFFC0];
	[tilespmem:s31+$0xFFFFFC60] =	vst v56  }
0x54: {  	s24 =	sand.u32 $0x80, s25;
	s30 =	sadd.s32 s26, s16;
	v62 =	vld [tilespmem:s22+$0x410];
	[tilespmem:s31+$0x0] =	vst v57  }
0x55: {  	v63 =	vld [tilespmem:s22+$0x420];
	s20 =	sadd.s32 $0x1, s20;
	s24 =	sadd.s32 s24, s30;
	[tilespmem:s31+$0x10] =	vst v58  }
0x56: {  	p2 =	sne.s32 s20, $0x8;
	v0 =	vld.idx.msk [tilespmem:v0+s24+$0x400 ss:$0x1], $0xffff;
	[tilespmem:s31+$0x20] =	vst v59  }
.Ltmp4:
0x57: {  	[tilespmem:s31+$0x30] =	vst v60;
	(pc) =	sbr.rel @p2 .LBB1_3-.Ltmp4, $4  }
0x58: {  	[tilespmem:s31+$0xFFFFFBF0] =	vst v61  }
0x59: {  	[tilespmem:s31+$0x40] =	vst v62  }
0x5a: {  	s21 =	sadd.s32 $0x800, s21;
	s14 =	sadd.s32 $0x800, s14;
	[tilespmem:s31+$0x50] =	vst v63  }
0x5b: {  	s19 =	sadd.s32 $0x80, s19;
	p1 =	por !p1, !p1;
	s15 =	sadd.s32 $0x80, s15;
	[tilespmem:s21+$0x0] =	vst v0  }
0x5c: {  	s14 =	sshll.u32 s11, $0x8;
	s31 =	sshll.u32 s11, $0x7  }
.Ltmp5:
0x5d: {  	s14 =	sand.u32 $0x800, s14;
	s11 =	sand.u32 $0x380, s31;
	(pc) =	sbr.rel .LBB1_7-.Ltmp5, $4  }
0x5e: {  	s12 =	sshll.u32 s12, $0xC;
	s11 =	sor.u32 s11, s14  }
0x5f: {  	s12 =	sadd.s32 s2, s12;
	s11 =	sshrl.u32 s11, $0x3  }
0x60: {  	s11 =	sadd.s32 s11, s12  }
0x61: {  	[hbm4b:s11+s6] =	stream.strided.scatter [tilespmem:s13], [sflag:$0x2], $0x4000, s7, s6, $0x38;
	[tilespmem:$0x10000] =	vst v63  }
.LBB1_8:
0x62: {  	_ =	sfence.sel $0x180000  }
0x63: {  	s2 =	simm.s32 $0x1;
	[bflag:$0x0] =	sbarrier.arrive $0xFFFF  }
0x64: {  	s31 =	simm.s32 $0x2;
	[sflag:s2] =	ssyncpa.u1 $0x1  }
0x65: {  	[sflag:s31] =	ssyncpa.u1 $0x1  }
0x66: {  	p0 =	sne.s32 s1, $0x0;
	_ =	strace $0x90000047  }
0x67: {  	s0 =	sadd.s32 @!p0 $0x100000, s0;
	[bflag:$0x2] =	sbarrier.arrive $0xFFFF  }
0x68: {  	[sflag:s0] =	ssyncadd.tile.s32 @!p0 $0x1;
	_ =	shalt  }
.Lfunc_end1:
_tile_overlayer_lowered:
.L_overlay_start_2:
0x69: {  	(tag) =	ssettag $0x2  }
0x6a: {  	s0 =	rddreg [dreg:$0x0];
	s2 =	stileid.u32  }
0x6b: {  	s1 =	rddreg [dreg:$0x1];
	p0 =	sne.s32 s2, $0x0  }
0x6c: {  	s3 =	rddreg [dreg:$0x2];
	[bflag:$0x3] =	sbarrier.arrive $0xFFFF;
	s2 =	simm.s32 @!p0 $0x1C01  }
0x6d: {  	[timem:s3], [sflag:s2] =	dma.local @!p0 [hbm:s0], s1  }
0x6e: {  	s0 =	simm.s32 @!p0 $0x1  }
0x6f: {  	_ =	swait.ge @!p0 [sflag:s0], s1  }
0x70: {  	s1 =	ssub.s32 @!p0 $0x0, s1;
	[sflag:s0] =	ssyncset.done @!p0 $0x0  }
0x71: {  	[sflag:s0] =	ssyncadd.s32 @!p0 s1  }
0x72: {  	[bflag:$0x3] =	sbarrier.arrive $0xFFFF  }
0x73: {  	_ =	shalt  }

</sc_bundles>
